<compile_context>
chip_gen: v7x
topology: tpu7x:2x2x1
jax: 0.10.2.dev20260603
libtpu: 0.0.44.dev20260713+nightly
codegen_flags: <defaults>
</compile_context>

<pallas_src>
import functools

import jax
import jax.numpy as jnp
from jax import lax
from jax.experimental import pallas as pl
from jax.experimental.pallas import tpu as pltpu
from jax.experimental.pallas import tpu_sc as plsc

_B = 16384
_D = 64


@functools.cache
def _build_gather(num_cores: int, num_subcores: int):
    nw = num_cores * num_subcores
    b_per_w = _B // nw
    mesh = plsc.VectorSubcoreMesh(core_axis_name="c", subcore_axis_name="s")

    @functools.partial(
        pl.kernel,
        mesh=mesh,
        out_type=jax.ShapeDtypeStruct((_B, 2 * _D), jnp.float32),
        scratch_types=[
            pltpu.VMEM((b_per_w,), jnp.int32),
            pltpu.VMEM((b_per_w // 2, 2 * _D), jnp.float32),
            pltpu.VMEM((b_per_w // 2, 2 * _D), jnp.float32),
            pltpu.SemaphoreType.DMA,
            pltpu.SemaphoreType.DMA,
        ],
    )
    def gather_kernel(table_hbm, idxt_hbm, out_hbm, idx_v, rows_a, rows_b, s0, s1):
        wid = lax.axis_index("s") * num_cores + lax.axis_index("c")
        base = wid * b_per_w
        half = b_per_w // 2
        pltpu.sync_copy(idxt_hbm.at[0, pl.ds(base, b_per_w)], idx_v)
        g0 = pltpu.async_copy(table_hbm.at[idx_v.at[pl.ds(0, half)]], rows_a, s0)
        g1 = pltpu.async_copy(table_hbm.at[idx_v.at[pl.ds(half, half)]], rows_b, s1)
        g0.wait()
        pltpu.sync_copy(rows_a, out_hbm.at[pl.ds(base, half)])
        g1.wait()
        pltpu.sync_copy(rows_b, out_hbm.at[pl.ds(base + half, half)])

    return gather_kernel


def kernel(W, indices):
    idxt = indices.astype(jnp.int32).T
    Wp = jnp.pad(W, ((0, 0), (0, _D)))
    info = plsc.get_sparse_core_info()
    gather = _build_gather(info.num_cores, info.num_subcores)
    out_p = gather(Wp, idxt)
    return out_p[:, :_D]

# --- scband reference (transcript-rebuilt; emitter-appended) ---
"""Pipeline reference for scband-weights-storage-30975304139141 (READ-ONLY COPY).

The authoritative reference and input builder live on the scoring server;
editing this copy changes nothing except your own understanding.
"""

import jax, jax.numpy as jnp
import numpy as np

SIZE = 100000
GROUPS = 8
BATCH = 16384
PSEUDO_SHAPE = [64]  # the registered layer's pseudo weight shape
GROUP_OF_LAYER = 0   # result of _group_layers for the single registered layer


def setup_inputs(seed: int = 0) -> dict:
    key = jax.random.key(seed)
    k1, k2 = jax.random.split(key)
    # Learned storage: one weight tensor of shape [size] + pseudo_shape per layer
    W = jax.random.normal(k1, [SIZE] + PSEUDO_SHAPE, dtype=jnp.float32)
    # indices: [batch, groups_count]; each column is a per-group time-step index into the table
    indices = jax.random.randint(k2, (BATCH, GROUPS), 0, SIZE, dtype=jnp.int64)
    return {"W": W, "indices": indices}


def reference(W, indices):
    # call(layer_name, indices): weights_index = indices[:, weights_distribution[layer_name]]
    weights_index = indices[:, GROUP_OF_LAYER]
    # [tf.gather(weights, weights_index) for weights in self._layers[layer_name]]
    # single pseudo weight tensor -> single gather
    out = jnp.take(W, weights_index, axis=0)
    return out

if __name__ == "__main__":
    import jax
    _d = setup_inputs()
    print(jax.jit(kernel)(*tuple(_d.values())))

</pallas_src>

<mosaic_0001>
#map = affine_map<(d0, d1) -> (0, 0)>
module attributes {stable_mosaic.version = 14 : i64} {
  func.func @gather_kernel(%arg0: i32, %arg1: i32, %arg2: memref<100000x128xf32, #tpu.memory_space<hbm>>, %arg3: memref<8x16384xi32, #tpu.memory_space<hbm>>, %arg4: memref<16384x128xf32, #tpu.memory_space<hbm>>, %arg5: memref<512xi32, #tpu.memory_space<vmem>>, %arg6: memref<256x128xf32, #tpu.memory_space<vmem>>, %arg7: memref<256x128xf32, #tpu.memory_space<vmem>>, %arg8: memref<!tpu.dma_semaphore, #tpu.memory_space<semaphore_mem>>, %arg9: memref<!tpu.dma_semaphore, #tpu.memory_space<semaphore_mem>>) attributes {dimension_semantics = [#tpu.dimension_semantics<core_parallel>, #tpu.dimension_semantics<subcore_parallel>], iteration_bounds = array<i64: 2, 16>, scalar_prefetch = 0 : i64, scratch_operands = 5 : i64, tpu.core_type = #tpu.core_type<sc_vector_subcore>, window_params = [{transform_indices = #map}, {transform_indices = #map}, {transform_indices = #map}]} {
    %mul3A = arith.constant 2 : i32
    %mul3A_0 = arith.muli %arg1, %mul3A : i32
    %add3A = arith.addi %mul3A_0, %arg0 : i32
    %mul3A_1 = arith.constant 512 : i32
    %mul3A_2 = arith.muli %add3A, %mul3A_1 : i32
    %run_scoped3A = arith.constant 0 : i32
    "tpu.region"() ({
      %run_scoped3A_23 = tpu.sem_alloc : memref<!tpu.dma_semaphore, #tpu.memory_space<semaphore_mem>>
      %dma_start3A_24 = tpu.memref_slice %arg3[%run_scoped3A, %mul3A_2] : memref<8x16384xi32, #tpu.memory_space<hbm>> -> memref<1x512xi32, #tpu.memory_space<hbm>>
      %dma_start3A_25 = tpu.memref_squeeze %dma_start3A_24 : memref<1x512xi32, #tpu.memory_space<hbm>> -> memref<512xi32, #tpu.memory_space<hbm>>
      %dma_start3A_26 = tpu.memref_slice %arg3[%run_scoped3A, %mul3A_2] : memref<8x16384xi32, #tpu.memory_space<hbm>> -> memref<1x512xi32, #tpu.memory_space<hbm>>
      %dma_start3A_27 = tpu.memref_squeeze %dma_start3A_26 : memref<1x512xi32, #tpu.memory_space<hbm>> -> memref<512xi32, #tpu.memory_space<hbm>>
      tpu.enqueue_dma source(%dma_start3A_27 : memref<512xi32, #tpu.memory_space<hbm>>) target(%arg5 : memref<512xi32, #tpu.memory_space<vmem>>) target_semaphore(%run_scoped3A_23 : memref<!tpu.dma_semaphore, #tpu.memory_space<semaphore_mem>>)
      %dma_wait3A_28 = tpu.memref_slice %arg3[%run_scoped3A, %mul3A_2] : memref<8x16384xi32, #tpu.memory_space<hbm>> -> memref<1x512xi32, #tpu.memory_space<hbm>>
      %dma_wait3A_29 = tpu.memref_squeeze %dma_wait3A_28 : memref<1x512xi32, #tpu.memory_space<hbm>> -> memref<512xi32, #tpu.memory_space<hbm>>
      %dma_wait3A_30 = tpu.memref_slice %arg3[%run_scoped3A, %mul3A_2] : memref<8x16384xi32, #tpu.memory_space<hbm>> -> memref<1x512xi32, #tpu.memory_space<hbm>>
      %dma_wait3A_31 = tpu.memref_squeeze %dma_wait3A_30 : memref<1x512xi32, #tpu.memory_space<hbm>> -> memref<512xi32, #tpu.memory_space<hbm>>
      tpu.wait_dma2 semaphore(%run_scoped3A_23 : memref<!tpu.dma_semaphore, #tpu.memory_space<semaphore_mem>>) src(%dma_wait3A_31 : memref<512xi32, #tpu.memory_space<hbm>>) dst(%arg5 : memref<512xi32, #tpu.memory_space<vmem>>)
      tpu.yield
    }) : () -> ()
    %dma_start3A = arith.constant 0 : i32
    %dma_start3A_3 = tpu.memref_slice %arg5[%dma_start3A] : memref<512xi32, #tpu.memory_space<vmem>> -> memref<256xi32, #tpu.memory_space<vmem>>
    %dma_start3A_4 = arith.constant 0 : i32
    %dma_start3A_5 = arith.constant 0 : i32
    %dma_start3A_6 = tpu.memref_slice %arg2[%dma_start3A_4, %dma_start3A_5] : memref<100000x128xf32, #tpu.memory_space<hbm>> -> memref<100000x128xf32, #tpu.memory_space<hbm>>
    tpu.enqueue_indirect_dma source(%dma_start3A_6 : memref<100000x128xf32, #tpu.memory_space<hbm>>) target(%arg6 : memref<256x128xf32, #tpu.memory_space<vmem>>) offsets(%dma_start3A_3 : memref<256xi32, #tpu.memory_space<vmem>>) semaphore(%arg8 : memref<!tpu.dma_semaphore, #tpu.memory_space<semaphore_mem>>)
    %dma_start3A_7 = arith.constant 256 : i32
    %dma_start3A_8 = tpu.memref_slice %arg5[%dma_start3A_7] : memref<512xi32, #tpu.memory_space<vmem>> -> memref<256xi32, #tpu.memory_space<vmem>>
    %dma_start3A_9 = arith.constant 0 : i32
    %dma_start3A_10 = arith.constant 0 : i32
    %dma_start3A_11 = tpu.memref_slice %arg2[%dma_start3A_9, %dma_start3A_10] : memref<100000x128xf32, #tpu.memory_space<hbm>> -> memref<100000x128xf32, #tpu.memory_space<hbm>>
    tpu.enqueue_indirect_dma source(%dma_start3A_11 : memref<100000x128xf32, #tpu.memory_space<hbm>>) target(%arg7 : memref<256x128xf32, #tpu.memory_space<vmem>>) offsets(%dma_start3A_8 : memref<256xi32, #tpu.memory_space<vmem>>) semaphore(%arg9 : memref<!tpu.dma_semaphore, #tpu.memory_space<semaphore_mem>>)
    %dma_wait3A = arith.constant 0 : i32
    %dma_wait3A_12 = tpu.memref_slice %arg5[%dma_wait3A] : memref<512xi32, #tpu.memory_space<vmem>> -> memref<256xi32, #tpu.memory_space<vmem>>
    %dma_wait3A_13 = arith.constant 0 : i32
    %dma_wait3A_14 = arith.constant 0 : i32
    %dma_wait3A_15 = tpu.memref_slice %arg2[%dma_wait3A_13, %dma_wait3A_14] : memref<100000x128xf32, #tpu.memory_space<hbm>> -> memref<100000x128xf32, #tpu.memory_space<hbm>>
    tpu.wait_indirect_dma semaphore(%arg8 : memref<!tpu.dma_semaphore, #tpu.memory_space<semaphore_mem>>) src(%dma_wait3A_15 : memref<100000x128xf32, #tpu.memory_space<hbm>>) dst(%arg6 : memref<256x128xf32, #tpu.memory_space<vmem>>)
    "tpu.region"() ({
      %run_scoped3A_23 = tpu.sem_alloc : memref<!tpu.dma_semaphore, #tpu.memory_space<semaphore_mem>>
      %dma_start3A_24 = arith.constant 0 : i32
      %dma_start3A_25 = tpu.memref_slice %arg4[%mul3A_2, %dma_start3A_24] : memref<16384x128xf32, #tpu.memory_space<hbm>> -> memref<256x128xf32, #tpu.memory_space<hbm>>
      %dma_start3A_26 = arith.constant 0 : i32
      %dma_start3A_27 = tpu.memref_slice %arg4[%mul3A_2, %dma_start3A_26] : memref<16384x128xf32, #tpu.memory_space<hbm>> -> memref<256x128xf32, #tpu.memory_space<hbm>>
      tpu.enqueue_dma source(%arg6 : memref<256x128xf32, #tpu.memory_space<vmem>>) target(%dma_start3A_27 : memref<256x128xf32, #tpu.memory_space<hbm>>) target_semaphore(%run_scoped3A_23 : memref<!tpu.dma_semaphore, #tpu.memory_space<semaphore_mem>>)
      %dma_wait3A_28 = arith.constant 0 : i32
      %dma_wait3A_29 = tpu.memref_slice %arg4[%mul3A_2, %dma_wait3A_28] : memref<16384x128xf32, #tpu.memory_space<hbm>> -> memref<256x128xf32, #tpu.memory_space<hbm>>
      %dma_wait3A_30 = arith.constant 0 : i32
      %dma_wait3A_31 = tpu.memref_slice %arg4[%mul3A_2, %dma_wait3A_30] : memref<16384x128xf32, #tpu.memory_space<hbm>> -> memref<256x128xf32, #tpu.memory_space<hbm>>
      tpu.wait_dma2 semaphore(%run_scoped3A_23 : memref<!tpu.dma_semaphore, #tpu.memory_space<semaphore_mem>>) src(%arg6 : memref<256x128xf32, #tpu.memory_space<vmem>>) dst(%dma_wait3A_31 : memref<256x128xf32, #tpu.memory_space<hbm>>)
      tpu.yield
    }) : () -> ()
    %dma_wait3A_16 = arith.constant 256 : i32
    %dma_wait3A_17 = tpu.memref_slice %arg5[%dma_wait3A_16] : memref<512xi32, #tpu.memory_space<vmem>> -> memref<256xi32, #tpu.memory_space<vmem>>
    %dma_wait3A_18 = arith.constant 0 : i32
    %dma_wait3A_19 = arith.constant 0 : i32
    %dma_wait3A_20 = tpu.memref_slice %arg2[%dma_wait3A_18, %dma_wait3A_19] : memref<100000x128xf32, #tpu.memory_space<hbm>> -> memref<100000x128xf32, #tpu.memory_space<hbm>>
    tpu.wait_indirect_dma semaphore(%arg9 : memref<!tpu.dma_semaphore, #tpu.memory_space<semaphore_mem>>) src(%dma_wait3A_20 : memref<100000x128xf32, #tpu.memory_space<hbm>>) dst(%arg7 : memref<256x128xf32, #tpu.memory_space<vmem>>)
    %add3A_21 = arith.constant 256 : i32
    %add3A_22 = arith.addi %mul3A_2, %add3A_21 : i32
    "tpu.region"() ({
      %run_scoped3A_23 = tpu.sem_alloc : memref<!tpu.dma_semaphore, #tpu.memory_space<semaphore_mem>>
      %dma_start3A_24 = arith.constant 0 : i32
      %dma_start3A_25 = tpu.memref_slice %arg4[%add3A_22, %dma_start3A_24] : memref<16384x128xf32, #tpu.memory_space<hbm>> -> memref<256x128xf32, #tpu.memory_space<hbm>>
      %dma_start3A_26 = arith.constant 0 : i32
      %dma_start3A_27 = tpu.memref_slice %arg4[%add3A_22, %dma_start3A_26] : memref<16384x128xf32, #tpu.memory_space<hbm>> -> memref<256x128xf32, #tpu.memory_space<hbm>>
      tpu.enqueue_dma source(%arg7 : memref<256x128xf32, #tpu.memory_space<vmem>>) target(%dma_start3A_27 : memref<256x128xf32, #tpu.memory_space<hbm>>) target_semaphore(%run_scoped3A_23 : memref<!tpu.dma_semaphore, #tpu.memory_space<semaphore_mem>>)
      %dma_wait3A_28 = arith.constant 0 : i32
      %dma_wait3A_29 = tpu.memref_slice %arg4[%add3A_22, %dma_wait3A_28] : memref<16384x128xf32, #tpu.memory_space<hbm>> -> memref<256x128xf32, #tpu.memory_space<hbm>>
      %dma_wait3A_30 = arith.constant 0 : i32
      %dma_wait3A_31 = tpu.memref_slice %arg4[%add3A_22, %dma_wait3A_30] : memref<16384x128xf32, #tpu.memory_space<hbm>> -> memref<256x128xf32, #tpu.memory_space<hbm>>
      tpu.wait_dma2 semaphore(%run_scoped3A_23 : memref<!tpu.dma_semaphore, #tpu.memory_space<semaphore_mem>>) src(%arg7 : memref<256x128xf32, #tpu.memory_space<vmem>>) dst(%dma_wait3A_31 : memref<256x128xf32, #tpu.memory_space<hbm>>)
      tpu.yield
    }) : () -> ()
    return
  }
}

</mosaic_0001>

<sc_bundles>
// kernel: kernel.3.cloned.1.call-start
scs
__scs_entry_jumppad:
0x0: {  	(pc) =	sbr.rel $0x88, $3  }
0x1: {  	(tag) =	ssettag $0x0;
	lr =	simm.s32 $0x1  }
0x2: {  	[smem:$0x3F9F] =	sst lr;
	_ =	strace $0xD0000000  }
0x3: {  	_ = 	snop  }
0x4: {  	_ = 	snop  }
0x5: {  	_ = 	snop  }
0x6: {  	_ = 	snop  }
0x7: {  	_ = 	snop  }
__scs_overlays_trampoline_lowered:
0x8: {  	[smem:$0x3FAE] =	sst s0  }
0x9: {  	[smem:$0x3FAF] =	sst s1  }
0xa: {  	[smem:$0x3FB0] =	sst s2  }
0xb: {  	[smem:$0x3FB1] =	sst s3  }
0xc: {  	[smem:$0x3FB2] =	sst s4  }
0xd: {  	[smem:$0x3FB3] =	sst s5  }
0xe: {  	[smem:$0x3FB4] =	sst s6  }
0xf: {  	[smem:$0x3FB5] =	sst s7  }
0x10: {  	[smem:$0x3FB6] =	sst s8  }
0x11: {  	[smem:$0x3FB7] =	sst s9;
	s0 =	simm.s32 @!p0 $0x0  }
0x12: {  	s1 =	sld [smem:$0x3F9D];
	s0 =	simm.s32 @p0 $0x1  }
0x13: {  	[smem:$0x3FB8] =	sst s0;
	s0 =	simm.s32 @!p1 $0x0  }
0x14: {  	s2 =	sld [smem:$0x3F9C];
	s0 =	simm.s32 @p1 $0x1  }
0x15: {  	[smem:$0x3FB9] =	sst s0;
	s0 =	simm.s32 @!p2 $0x0  }
0x16: {  	s3 =	sld [smem:$0x3FDB];
	s0 =	simm.s32 @p2 $0x1  }
0x17: {  	s4 =	simm.s32 $0x1BF5;
	[smem:$0x3FBB] =	sst s0  }
0x18: {  	s0 =	sld [smem:$0x3F9E];
	_ =	swait.ge [sflag:s4], $0x0  }
0x19: {  	s7 =	sld [smem:$0x3F9F]  }
0x1a: {  	s8 =	sadd.s32 $0xFFFFE003, lr  }
0x1b: {  	s9 =	sadd.s32 $0xFFFFFEF7, lr;
	s5 =	simm.s32 $0xFFFFFFFF;
	p2 =	slt.u32 s8, $0xFFFFF086  }
0x1c: {  	p1 =	slt.u32 s9, $0xF7A;
	s5 =	simm.s32 @!p2 $0x0  }
0x1d: {  	s5 =	simm.s32 @p1 $0x1;
	p0 =	seq.s32 s7, s2  }
0x1e: {  	s7 =	smul.u32 @!p0 $0xF7A, s2;
	p2 =	seq.s32 @!p0 s5, $0x0  }
0x1f: {  	s9 =	smul.u32 $0xF7A, s1;
	s8 =	simm.s32 @!p0 $0x1BF5;
	p2 =	por !p2, p0  }
0x20: {  	[sflag:s8] =	ssyncset.s32 @!p0 $0xFFFFF086;
	s6 =	sadd.s32 @!p0 s3, s7;
	s7 =	simm.s32 @!p0 $0x108  }
0x21: {  	s3 =	sadd.s32 s3, s9;
	s6 =	sadd.s32 @!p0 $0x88, s6;
	s7 =	simm.s32 @p2 $0x1082  }
0x22: {  	[simem:s7], [sflag:s8] =	dma.local @!p0 [hbm:s6], $0xF7A  }
0x23: {  	s9 =	sor.u32 $0xD0000000, s2;
	s6 =	simm.s32 $0x108;
	_ =	swait.ge @!p0 [sflag:s8], $0x0  }
0x24: {  	s3 =	sadd.s32 $0x88, s3;
	s6 =	simm.s32 @!p1 $0x1082;
	[sflag:s4] =	ssyncset.s32 $0xFFFFF086  }
0x25: {  	[simem:s6], [sflag:s4] =	dma.local [hbm:s3], $0xF7A  }
0x26: {  	[smem:$0x3F9F] =	sst s1;
	(tag) =	ssettag s2;
	_ =	strace s9  }
0x27: {  	s1 =	sld [smem:$0x3FAF]  }
0x28: {  	s2 =	sld [smem:$0x3FB0]  }
0x29: {  	s4 =	sld [smem:$0x3FB2]  }
0x2a: {  	p0 =	seq.s32 s5, $0x0;
	s5 =	sld [smem:$0x3FB3]  }
0x2b: {  	s6 =	sld [smem:$0x3FB4]  }
0x2c: {  	s7 =	sld [smem:$0x3FB5]  }
0x2d: {  	s3 =	simm.s32 $0x108;
	s8 =	sld [smem:$0x3FB6]  }
0x2e: {  	s3 =	simm.s32 @!p0 $0x1082;
	s9 =	sld [smem:$0x3FB7]  }
0x2f: {  	lr =	sadd.s32 s0, s3;
	s0 =	sld [smem:$0x3FAE]  }
0x30: {  	s3 =	sld [smem:$0x3FB1]  }
0x31: {  	[smem:$0x3FBA] =	sst s10  }
0x32: {  	s10 =	sld [smem:$0x3FB8];
	_ =	sdelay $0x3  }
0x33: {  	p0 =	seq.s32 s10, $0x1;
	s10 =	sld [smem:$0x3FBA];
	_ =	sdelay $0x3  }
0x34: {  	[smem:$0x3FBA] =	sst s10  }
0x35: {  	s10 =	sld [smem:$0x3FB9];
	_ =	sdelay $0x3  }
0x36: {  	p1 =	seq.s32 s10, $0x1;
	s10 =	sld [smem:$0x3FBA];
	_ =	sdelay $0x3  }
0x37: {  	[smem:$0x3FBA] =	sst s10  }
0x38: {  	s10 =	sld [smem:$0x3FBB]  }
0x39: {  	_ = 	snop;
	(pc) =	sbr.ind lr, $3  }
0x3a: {  	_ = 	snop  }
0x3b: {  	_ = 	snop  }
0x3c: {  	p2 =	seq.s32 s10, $0x1;
	s10 =	sld [smem:$0x3FBA]  }
0x3d: {  	_ =	shalt  }
0x3e: {  	_ =	shalt  }
0x3f: {  	_ =	shalt  }
0x40: {  	_ =	shalt  }
0x41: {  	_ =	shalt  }
0x42: {  	_ =	shalt  }
0x43: {  	_ =	shalt  }
0x44: {  	_ =	shalt  }
0x45: {  	_ =	shalt  }
0x46: {  	_ =	shalt  }
0x47: {  	_ =	shalt  }
0x48: {  	_ =	shalt  }
0x49: {  	_ =	shalt  }
0x4a: {  	_ =	shalt  }
0x4b: {  	_ =	shalt  }
0x4c: {  	_ =	shalt  }
0x4d: {  	_ =	shalt  }
0x4e: {  	_ =	shalt  }
0x4f: {  	_ =	shalt  }
0x50: {  	_ =	shalt  }
0x51: {  	_ =	shalt  }
0x52: {  	_ =	shalt  }
0x53: {  	_ =	shalt  }
0x54: {  	_ =	shalt  }
0x55: {  	_ =	shalt  }
0x56: {  	_ =	shalt  }
0x57: {  	_ =	shalt  }
0x58: {  	_ =	shalt  }
0x59: {  	_ =	shalt  }
0x5a: {  	_ =	shalt  }
0x5b: {  	_ =	shalt  }
0x5c: {  	_ =	shalt  }
0x5d: {  	_ =	shalt  }
0x5e: {  	_ =	shalt  }
0x5f: {  	_ =	shalt  }
0x60: {  	_ =	shalt  }
0x61: {  	_ =	shalt  }
0x62: {  	_ =	shalt  }
0x63: {  	_ =	shalt  }
0x64: {  	_ =	shalt  }
0x65: {  	_ =	shalt  }
0x66: {  	_ =	shalt  }
0x67: {  	_ =	shalt  }
0x68: {  	_ =	shalt  }
0x69: {  	_ =	shalt  }
0x6a: {  	_ =	shalt  }
0x6b: {  	_ =	shalt  }
0x6c: {  	_ =	shalt  }
0x6d: {  	_ =	shalt  }
0x6e: {  	_ =	shalt  }
0x6f: {  	_ =	shalt  }
0x70: {  	_ =	shalt  }
0x71: {  	_ =	shalt  }
0x72: {  	_ =	shalt  }
0x73: {  	_ =	shalt  }
0x74: {  	_ =	shalt  }
0x75: {  	_ =	shalt  }
0x76: {  	_ =	shalt  }
0x77: {  	_ =	shalt  }
0x78: {  	_ =	shalt  }
0x79: {  	_ =	shalt  }
0x7a: {  	_ =	shalt  }
0x7b: {  	_ =	shalt  }
0x7c: {  	_ =	shalt  }
0x7d: {  	_ =	shalt  }
0x7e: {  	_ =	shalt  }
0x7f: {  	_ =	shalt  }
0x80: {  	_ =	shalt  }
0x81: {  	_ =	shalt  }
0x82: {  	_ =	shalt  }
0x83: {  	_ =	shalt  }
0x84: {  	_ =	shalt  }
0x85: {  	_ =	shalt  }
0x86: {  	_ =	shalt  }
0x87: {  	_ =	shalt  }
.Lfunc_end0:
.L_simem_size_0:
called_computation_lowered:
.L_overlay_start_0:
0x88: {  	s2 =	sld [smem:$0x3FD9]  }
0x89: {  	s3 =	sld [smem:$0x3FFE];
	_ =	sdelay $0x1  }
0x8a: {  	s1 =	srdreg.scid  }
0x8b: {  	s0 =	sand.u32 $0x1, s1  }
0x8c: {  	s17 =	sshll.u32 s0, $0xA;
	s2 =	sadd.s32 s3, s2  }
0x8d: {  	s2 =	sadd.s32 s2, s17  }
0x8e: {  	[smem:$0x3FC6] =	sst s2  }
0x8f: {  	_ = 	snop  }
0x90: {  	s2 =	sld [smem:$0x3FC8];
	(tm) =	ssettm $0x1  }
0x91: {  	s18 =	sld [smem:$0x3FFB];
	_ =	sdelay $0x3  }
0x92: {  	_ =	strace s18  }
0x93: {  	s3 =	sld [smem:$0x3FFC];
	_ =	sdelay $0x3  }
0x94: {  	_ =	strace s3  }
0x95: {  	s3 =	sld [smem:$0x3FFD];
	_ =	sdelay $0x3  }
0x96: {  	_ =	strace s3  }
0x97: {  	_ =	strace $0x8FFFFFFF  }
0x98: {  	s19 =	sld [smem:$0x3FDB];
	_ =	sdelay $0x1  }
0x99: {  	s4 =	simm.s32 $_scs_section_size  }
0x9a: {  	s5 =	simm.s32 $_size__tile_overlayer_lowered;
	s6 =	simm.s32 $_tile_overlayer_lowered  }
0x9b: {  	s22 =	simm.s32 $0x1BFF;
	s21 =	sshll.u32 s6, $0x1;
	s3 =	sadd.s32 s4, s19  }
0x9c: {  	s7 =	simm.s32 $0x0;
	s20 =	sshll.u32 s5, $0x1;
	s5 =	sadd.s32 s21, s3  }
0x9d: {  	[timem:s7], [sflag:s22] =	dma.local [hbm:s5], s20  }
0x9e: {  	_ =	swait.ge [sflag:s22], s20  }
0x9f: {  	s4 =	ssub.s32 $0x0, s20;
	[sflag:s22] =	ssyncset.done $0x0  }
0xa0: {  	[sflag:s22] =	ssyncadd.s32 s4;
	_ =	sdelay $0x1  }
0xa1: {  	s23 =	simm.s32 $0x1B8B  }
0xa2: {  	_ =	swait.ge [sflag:s23], $0x1  }
0xa3: {  	[sflag:s23] =	ssyncset.done $0x0  }
0xa4: {  	s25 =	simm.s32 $0x1B8E;
	s24 =	sld [smem:$0x3FFE];
	[sflag:s23] =	ssyncadd.s32 $0xFFFFFFFF  }
0xa5: {  	s26 =	simm.s32 $execute0_lowered;
	[smem:$0x3FD2] =	sst s25  }
0xa6: {  	s5 =	sshll.u32 s26, $0x1;
	_ =	strace $0x80000046;
	[dreg:$0x1] =	wrdreg $0xFFFFFFFF  }
0xa7: {  	s28 =	simm.s32 $_size_execute0_lowered;
	s3 =	sadd.s32 s3, s5;
	[dreg:$0x0] =	wrdreg $0x0  }
0xa8: {  	s5 =	sshll.u32 s28, $0x1;
	[dreg:$0x2] =	wrdreg s3  }
0xa9: {  	[dreg:$0x3] =	wrdreg s5  }
0xaa: {  	[dreg:$0x4] =	wrdreg $0xC0  }
0xab: {  	_ =	task [dreg:s7], $0x5FFFF  }
0xac: {  	[dreg:$0x1] =	wrdreg $0xFFFFFFFF  }
0xad: {  	[dreg:$0x0] =	wrdreg $0x60  }
0xae: {  	[dreg:$0x2] =	wrdreg s24  }
0xaf: {  	[dreg:$0x3] =	wrdreg s2  }
0xb0: {  	[dreg:$0x4] =	wrdreg $0x9  }
0xb1: {  	_ =	task.clear_ibuf [dreg:s7], $0x5FFFF;
	_ =	strace $0x90000046  }
0xb2: {  	s29 =	simm.s32 $0x9;
	_ =	strace $0x80000048  }
0xb3: {  	_ =	swait.ge [sflag:s29], $0x1  }
0xb4: {  	[sflag:s29] =	ssyncadd.s32 $0xFFFFFFFF  }
0xb5: {  	_ =	strace $0x90000048  }
0xb6: {  	_ =	sfence  }
0xb7: {  	s30 =	sld [smem:$0x0];
	_ =	sdelay $0x2  }
0xb8: {  	s31 =	sshll.u32 s1, $0xD;
	s1 =	sshrl.u32 s1, $0x2  }
0xb9: {  	s3 =	sand.u32 $0x4000, s31;
	s1 =	sadd.s32 s1, s30  }
0xba: {  	s0 =	sor.u32 s3, s0;
	s1 =	sshll.u32 s1, $0x11  }
0xbb: {  	s0 =	sor.u32 s1, s0  }
0xbc: {  	s0 =	sadd.s32 $0x8F2B, s0  }
0xbd: {  	[sflag:s0] =	ssyncadd.remote.s32 $0x1  }
0xbe: {  	_ =	sfence.sel $0xFFFF  }
0xbf: {  	[dreg:$0x0] =	wrdreg $0xFFFFFFFF;
	(pc) =	sbr.abs _section_cstart, $3  }
0xc0: {  	[dreg:$0x1] =	wrdreg $0xFFFFFFFF  }
0xc1: {  	_ =	task.clear_ibuf [dreg:s7], $0x2FFFF;
	_ =	strace $0x9FFFFFFF  }
0xc2: {  	(tm) =	ssettm $0x7FFFFFFF  }
0xc3: {  	_ =	shalt  }
tec
execute0_lowered:
.L_overlay_start_1:
0x0: {  	(tag) =	ssettag $0x1  }
0x1: {  	s12 =	rddreg [dreg:$0x0]  }
0x2: {  	s3 =	rddreg [dreg:$0x1]  }
0x3: {  	s2 =	srdreg.scid;
	s0 =	rddreg [dreg:$0x2]  }
0x4: {  	s1 =	stileid.u32;
	s13 =	sand.u32 $0x1, s2;
	s2 =	simm.s32 $0x0  }
0x5: {  	s4 =	sshll.u32 s1, $0xA;
	s5 =	sshll.u32 s13, $0x9;
	[smem:$0x7FF] =	sst s2  }
0x6: {  	s6 =	simm.s32 $0x400;
	s14 =	sor.u32 s5, s4;
	_ =	strace $0x80000047  }
0x7: {  	s4 =	simm.s32 $0x80;
	s5 =	simm.s32 $0x3;
	s3 =	sadd.s32 s3, s14  }
0x8: {  	[tilespmem:s2], [sflag:$0x3] =	stream.strided.gather [hbm4b:s3+s4], $0x200, s6, s4, $0x38;
	[tilespmem:$0x10200] =	vst v63  }
0x9: {  	_ =	swait.ge [sflag:s5], $0x200  }
0xa: {  	s8 =	simm.s32 $0x100;
	[sflag:s5] =	ssyncset.done $0x0  }
0xb: {  	s9 =	simm.s32 $0x200;
	s7 =	sadd.s32 $0x186E00, s12;
	[sflag:s5] =	ssyncadd.s32 $0xFFFFFE00  }
0xc: {  	[tilespmem:s9], [sflag:$0x1] =	stream.indirect.gather [hbm4b:s7+s8], $0x80, s2, s8, $0xb8;
	[tilespmem:$0x10200] =	vst v63  }
0xd: {  	s10 =	simm.s32 $0x8200;
	s11 =	simm.s32 $0x1  }
0xe: {  	[tilespmem:s10], [sflag:$0x2] =	stream.indirect.gather [hbm4b:s7+s8], $0x80, s8, s8, $0xb8;
	[tilespmem:$0x10200] =	vst v63  }
0xf: {  	s14 =	sshll.u32 s14, $0x4;
	_ =	swait.ge [sflag:s11], $0x8000  }
0x10: {  	s14 =	sadd.s32 s14, s12;
	[sflag:s11] =	ssyncset.done $0x0  }
0x11: {  	s15 =	ssub.s32 $0x2, s13;
	s12 =	sadd.s32 $0x400, s14;
	[sflag:s11] =	ssyncadd.s32 $0xFFFF8000  }
0x12: {  	[hbm4b:s12+s2] =	stream.linear.scatter [tilespmem:s9], [sflag:$0x3], $0x8000, $0x38;
	[tilespmem:$0x10200] =	vst v63  }
0x13: {  	s16 =	sshrl.u32 s15, $0x1;
	_ =	swait.ge [sflag:s5], $0x8000  }
0x14: {  	s15 =	ssub.s32 s15, s16;
	[sflag:s5] =	ssyncset.done $0x0  }
0x15: {  	s13 =	simm.s32 $0x2;
	s15 =	smax.u32 s15, $0x1;
	[sflag:s5] =	ssyncadd.s32 $0xFFFF8000  }
0x16: {  	p0 =	sne.s32 s15, $0x1;
	_ =	swait.ge [sflag:s13], $0x8000  }
.Ltmp0:
0x17: {  	[sflag:s13] =	ssyncset.done $0x0;
	(pc) =	sbr.rel @!p0 .LBB2_2-.Ltmp0, $4  }
0x18: {  	s14 =	sadd.s32 $0x1400, s14;
	[sflag:s13] =	ssyncadd.s32 $0xFFFF8000  }
0x19: {  	[hbm4b:s14+s2] =	stream.linear.scatter [tilespmem:s10], [sflag:$0x3], $0x8000, $0x38;
	[tilespmem:$0x10200] =	vst v63  }
0x1a: {  	_ =	swait.ge [sflag:s5], $0x8000  }
0x1b: {  	s15 =	sadd.s32 $0xFFFFFFFF, s15;
	[sflag:s5] =	ssyncset.done $0x0  }
.LBB2_1:
0x1c: {  	p0 =	sne.s32 s15, $0x1;
	s15 =	sadd.s32 $0xFFFFFFFF, s15;
	[sflag:s5] =	ssyncadd.s32 $0xFFFF8000  }
0x1d: {  	[tilespmem:s2], [sflag:$0x3] =	stream.strided.gather [hbm4b:s3+s4], $0x200, s6, s4, $0x38;
	[tilespmem:$0x10200] =	vst v63  }
0x1e: {  	_ =	swait.ge [sflag:s5], $0x200  }
0x1f: {  	[sflag:s5] =	ssyncset.done $0x0  }
0x20: {  	[sflag:s5] =	ssyncadd.s32 $0xFFFFFE00  }
0x21: {  	[tilespmem:s9], [sflag:$0x1] =	stream.indirect.gather [hbm4b:s7+s8], $0x80, s2, s8, $0xb8;
	[tilespmem:$0x10200] =	vst v63  }
0x22: {  	_ = 	snop  }
0x23: {  	[tilespmem:s10], [sflag:$0x2] =	stream.indirect.gather [hbm4b:s7+s8], $0x80, s8, s8, $0xb8;
	[tilespmem:$0x10200] =	vst v63  }
0x24: {  	_ =	swait.ge [sflag:s11], $0x8000  }
0x25: {  	[sflag:s11] =	ssyncset.done $0x0  }
0x26: {  	[sflag:s11] =	ssyncadd.s32 $0xFFFF8000  }
0x27: {  	[hbm4b:s12+s2] =	stream.linear.scatter [tilespmem:s9], [sflag:$0x3], $0x8000, $0x38;
	[tilespmem:$0x10200] =	vst v63  }
0x28: {  	_ =	swait.ge [sflag:s5], $0x8000  }
0x29: {  	[sflag:s5] =	ssyncset.done $0x0  }
0x2a: {  	[sflag:s5] =	ssyncadd.s32 $0xFFFF8000  }
0x2b: {  	_ =	swait.ge [sflag:s13], $0x8000  }
.Ltmp1:
0x2c: {  	[sflag:s13] =	ssyncset.done $0x0;
	(pc) =	sbr.rel @p0 .LBB2_1-.Ltmp1, $4  }
0x2d: {  	[sflag:s13] =	ssyncadd.s32 $0xFFFF8000  }
0x2e: {  	[hbm4b:s14+s2] =	stream.linear.scatter [tilespmem:s10], [sflag:$0x3], $0x8000, $0x38;
	[tilespmem:$0x10200] =	vst v63  }
0x2f: {  	_ =	swait.ge [sflag:s5], $0x8000  }
0x30: {  	[sflag:s5] =	ssyncset.done $0x0  }
.LBB2_2:
0x31: {  	[sflag:s5] =	ssyncadd.s32 $0xFFFF8000  }
0x32: {  	_ =	sfence.sel $0x180000  }
0x33: {  	[bflag:$0x0] =	sbarrier.arrive $0xFFFF  }
0x34: {  	p0 =	sne.s32 s1, $0x0;
	_ =	strace $0x90000047  }
0x35: {  	s0 =	sadd.s32 @!p0 $0x100000, s0;
	[bflag:$0x2] =	sbarrier.arrive $0xFFFF  }
0x36: {  	[sflag:s0] =	ssyncadd.tile.s32 @!p0 $0x1;
	_ =	shalt  }
.Lfunc_end2:
_tile_overlayer_lowered:
.L_overlay_start_2:
0x37: {  	(tag) =	ssettag $0x2  }
0x38: {  	s0 =	rddreg [dreg:$0x0];
	s2 =	stileid.u32  }
0x39: {  	s1 =	rddreg [dreg:$0x1];
	p0 =	sne.s32 s2, $0x0  }
0x3a: {  	s3 =	rddreg [dreg:$0x2];
	[bflag:$0x3] =	sbarrier.arrive $0xFFFF;
	s2 =	simm.s32 @!p0 $0x1C03  }
0x3b: {  	[timem:s3], [sflag:s2] =	dma.local @!p0 [hbm:s0], s1  }
0x3c: {  	s0 =	simm.s32 @!p0 $0x3  }
0x3d: {  	_ =	swait.ge @!p0 [sflag:s0], s1  }
0x3e: {  	s1 =	ssub.s32 @!p0 $0x0, s1;
	[sflag:s0] =	ssyncset.done @!p0 $0x0  }
0x3f: {  	[sflag:s0] =	ssyncadd.s32 @!p0 s1  }
0x40: {  	[bflag:$0x3] =	sbarrier.arrive $0xFFFF  }
0x41: {  	_ =	shalt  }

</sc_bundles>
